<compile_context>
chip_gen: v7x
topology: tpu7x:2x2x1
jax: 0.10.2.dev20260603
libtpu: 0.0.44.dev20260713+nightly
codegen_flags: <defaults>
</compile_context>

<pallas_src>
import functools

import jax
import jax.numpy as jnp
from jax import lax
from jax.experimental import pallas as pl
from jax.experimental.pallas import tpu as pltpu
from jax.experimental.pallas import tpu_sc as plsc

NUM_NODES = 16384
DIM = 128
CHUNK = 64
NBUF = 3


@functools.lru_cache(maxsize=None)
def _build():
    info = plsc.get_sparse_core_info()
    nc, ns = info.num_cores, info.num_subcores
    nw = nc * ns
    b_per_w = NUM_NODES // nw
    nchunk = b_per_w // CHUNK
    mesh = plsc.VectorSubcoreMesh(core_axis_name="c", subcore_axis_name="s")

    @functools.partial(
        pl.kernel,
        mesh=mesh,
        out_type=jax.ShapeDtypeStruct((NUM_NODES, DIM), jnp.float32),
        scratch_types=[
            pltpu.VMEM((b_per_w,), jnp.int32),
            pltpu.VMEM_SHARED((9, DIM), jnp.float32),
        ]
        + [pltpu.VMEM((CHUNK, DIM), jnp.float32)] * NBUF
        + [pltpu.SemaphoreType.DMA] * (2 * NBUF + 1),
    )
    def gather_kernel(idx_hbm, table_hbm, out_hbm, idx_v, table_sh, *rest):
        bufs = rest[:NBUF]
        gsems = rest[NBUF:2 * NBUF]
        ssems = rest[2 * NBUF:3 * NBUF]
        isem = rest[3 * NBUF]

        sid = lax.axis_index("s")
        wid = sid * nc + lax.axis_index("c")
        base = wid * b_per_w

        hidx = pltpu.async_copy(idx_hbm.at[pl.ds(base, b_per_w)], idx_v, isem)

        @pl.when(sid == 0)
        def _stage_table():
            pltpu.sync_copy(table_hbm, table_sh)

        hidx.wait()
        plsc.subcore_barrier()

        def gather(k):
            return pltpu.async_copy(
                table_sh.at[idx_v.at[pl.ds(k * CHUNK, CHUNK)]],
                bufs[k % NBUF], gsems[k % NBUF])

        def scatter(k):
            return pltpu.async_copy(
                bufs[k % NBUF], out_hbm.at[pl.ds(base + k * CHUNK, CHUNK)],
                ssems[k % NBUF])

        hg = [None] * nchunk
        hs = [None] * nchunk
        for k in range(min(NBUF, nchunk)):
            hg[k] = gather(k)
        for k in range(nchunk):
            hg[k].wait()
            hs[k] = scatter(k)
            nxt = k + NBUF
            if nxt < nchunk:
                hs[nxt - NBUF].wait()
                hg[nxt] = gather(nxt)
        for k in range(max(0, nchunk - NBUF), nchunk):
            hs[k].wait()

    return gather_kernel


def kernel(abstract_type_ids, embedding_table):
    ids = abstract_type_ids.astype(jnp.int32)
    return _build()(ids, embedding_table)

# --- scband reference (transcript-rebuilt; emitter-appended) ---
"""Pipeline reference for scband-morphology-embedding-23536420782400 (READ-ONLY COPY).

The authoritative reference and input builder live on the scoring server;
editing this copy changes nothing except your own understanding.
"""

import jax, jax.numpy as jnp
import numpy as np

NUM_MORPHOLOGY_TYPES = 9
EMBEDDING_DIM = 128
NUM_NODES = 16384

def setup_inputs(seed: int = 0) -> dict:
    key = jax.random.key(seed)
    k1, k2 = jax.random.split(key)
    abstract_type_ids = jax.random.randint(k1, (NUM_NODES,), 0, NUM_MORPHOLOGY_TYPES, dtype=jnp.int64 if jax.config.read('jax_enable_x64') else jnp.int32)
    embedding_table = jax.random.normal(k2, (NUM_MORPHOLOGY_TYPES, EMBEDDING_DIM), dtype=jnp.float32)
    return {"abstract_type_ids": abstract_type_ids, "embedding_table": embedding_table}

def reference(abstract_type_ids, embedding_table):
    # nn.Embedding forward == row gather from the table
    return jnp.take(embedding_table, abstract_type_ids, axis=0)

if __name__ == "__main__":
    import jax
    _d = setup_inputs()
    print(jax.jit(kernel)(*tuple(_d.values())))

</pallas_src>

<mosaic_0001>
#map = affine_map<(d0, d1) -> (0)>
#map1 = affine_map<(d0, d1) -> (0, 0)>
module attributes {stable_mosaic.version = 14 : i64} {
  func.func @gather_kernel(%arg0: i32, %arg1: i32, %arg2: memref<16384xi32, #tpu.memory_space<hbm>>, %arg3: memref<9x128xf32, #tpu.memory_space<hbm>>, %arg4: memref<16384x128xf32, #tpu.memory_space<hbm>>, %arg5: memref<512xi32, #tpu.memory_space<vmem>>, %arg6: memref<9x128xf32, #tpu.memory_space<vmem_shared>>, %arg7: memref<64x128xf32, #tpu.memory_space<vmem>>, %arg8: memref<64x128xf32, #tpu.memory_space<vmem>>, %arg9: memref<64x128xf32, #tpu.memory_space<vmem>>, %arg10: memref<!tpu.dma_semaphore, #tpu.memory_space<semaphore_mem>>, %arg11: memref<!tpu.dma_semaphore, #tpu.memory_space<semaphore_mem>>, %arg12: memref<!tpu.dma_semaphore, #tpu.memory_space<semaphore_mem>>, %arg13: memref<!tpu.dma_semaphore, #tpu.memory_space<semaphore_mem>>, %arg14: memref<!tpu.dma_semaphore, #tpu.memory_space<semaphore_mem>>, %arg15: memref<!tpu.dma_semaphore, #tpu.memory_space<semaphore_mem>>, %arg16: memref<!tpu.dma_semaphore, #tpu.memory_space<semaphore_mem>>) attributes {dimension_semantics = [#tpu.dimension_semantics<core_parallel>, #tpu.dimension_semantics<subcore_parallel>], iteration_bounds = array<i64: 2, 16>, scalar_prefetch = 0 : i64, scratch_operands = 12 : i64, tpu.core_type = #tpu.core_type<sc_vector_subcore>, window_params = [{transform_indices = #map}, {transform_indices = #map1}, {transform_indices = #map1}]} {
    %mul3A = arith.constant 2 : i32
    %mul3A_0 = arith.muli %arg1, %mul3A : i32
    %add3A = arith.addi %mul3A_0, %arg0 : i32
    %mul3A_1 = arith.constant 512 : i32
    %mul3A_2 = arith.muli %add3A, %mul3A_1 : i32
    %dma_start3A = tpu.memref_slice %arg2[%mul3A_2] : memref<16384xi32, #tpu.memory_space<hbm>> -> memref<512xi32, #tpu.memory_space<hbm>>
    %dma_start3A_3 = tpu.memref_slice %arg2[%mul3A_2] : memref<16384xi32, #tpu.memory_space<hbm>> -> memref<512xi32, #tpu.memory_space<hbm>>
    tpu.enqueue_dma source(%dma_start3A_3 : memref<512xi32, #tpu.memory_space<hbm>>) target(%arg5 : memref<512xi32, #tpu.memory_space<vmem>>) target_semaphore(%arg16 : memref<!tpu.dma_semaphore, #tpu.memory_space<semaphore_mem>>)
    %eq3A = arith.constant 0 : i32
    %eq3A_4 = arith.cmpi eq, %arg1, %eq3A : i32
    %convert_element_type3A = arith.extui %eq3A_4 : i1 to i32
    %cond3A = arith.constant 0 : i32
    %cond3A_5 = arith.cmpi ne, %convert_element_type3A, %cond3A : i32
    scf.if %cond3A_5 {
      "tpu.region"() ({
        %run_scoped3A = tpu.sem_alloc : memref<!tpu.dma_semaphore, #tpu.memory_space<semaphore_mem>>
        tpu.enqueue_dma source(%arg3 : memref<9x128xf32, #tpu.memory_space<hbm>>) target(%arg6 : memref<9x128xf32, #tpu.memory_space<vmem_shared>>) target_semaphore(%run_scoped3A : memref<!tpu.dma_semaphore, #tpu.memory_space<semaphore_mem>>)
        tpu.wait_dma2 semaphore(%run_scoped3A : memref<!tpu.dma_semaphore, #tpu.memory_space<semaphore_mem>>) src(%arg3 : memref<9x128xf32, #tpu.memory_space<hbm>>) dst(%arg6 : memref<9x128xf32, #tpu.memory_space<vmem_shared>>)
        tpu.yield
      }) : () -> ()
    } else {
    }
    %dma_wait3A = tpu.memref_slice %arg2[%mul3A_2] : memref<16384xi32, #tpu.memory_space<hbm>> -> memref<512xi32, #tpu.memory_space<hbm>>
    %dma_wait3A_6 = tpu.memref_slice %arg2[%mul3A_2] : memref<16384xi32, #tpu.memory_space<hbm>> -> memref<512xi32, #tpu.memory_space<hbm>>
    tpu.wait_dma2 semaphore(%arg16 : memref<!tpu.dma_semaphore, #tpu.memory_space<semaphore_mem>>) src(%dma_wait3A_6 : memref<512xi32, #tpu.memory_space<hbm>>) dst(%arg5 : memref<512xi32, #tpu.memory_space<vmem>>)
    %barrier3A = arith.constant 0 : index
    tpu.barrier barrier_id(%barrier3A)
    %dma_start3A_7 = arith.constant 0 : i32
    %dma_start3A_8 = tpu.memref_slice %arg5[%dma_start3A_7] : memref<512xi32, #tpu.memory_space<vmem>> -> memref<64xi32, #tpu.memory_space<vmem>>
    %dma_start3A_9 = arith.constant 0 : i32
    %dma_start3A_10 = arith.constant 0 : i32
    %dma_start3A_11 = tpu.memref_slice %arg6[%dma_start3A_9, %dma_start3A_10] : memref<9x128xf32, #tpu.memory_space<vmem_shared>> -> memref<9x128xf32, #tpu.memory_space<vmem_shared>>
    tpu.enqueue_indirect_dma source(%dma_start3A_11 : memref<9x128xf32, #tpu.memory_space<vmem_shared>>) target(%arg7 : memref<64x128xf32, #tpu.memory_space<vmem>>) offsets(%dma_start3A_8 : memref<64xi32, #tpu.memory_space<vmem>>) semaphore(%arg10 : memref<!tpu.dma_semaphore, #tpu.memory_space<semaphore_mem>>)
    %dma_start3A_12 = arith.constant 64 : i32
    %dma_start3A_13 = tpu.memref_slice %arg5[%dma_start3A_12] : memref<512xi32, #tpu.memory_space<vmem>> -> memref<64xi32, #tpu.memory_space<vmem>>
    %dma_start3A_14 = arith.constant 0 : i32
    %dma_start3A_15 = arith.constant 0 : i32
    %dma_start3A_16 = tpu.memref_slice %arg6[%dma_start3A_14, %dma_start3A_15] : memref<9x128xf32, #tpu.memory_space<vmem_shared>> -> memref<9x128xf32, #tpu.memory_space<vmem_shared>>
    tpu.enqueue_indirect_dma source(%dma_start3A_16 : memref<9x128xf32, #tpu.memory_space<vmem_shared>>) target(%arg8 : memref<64x128xf32, #tpu.memory_space<vmem>>) offsets(%dma_start3A_13 : memref<64xi32, #tpu.memory_space<vmem>>) semaphore(%arg11 : memref<!tpu.dma_semaphore, #tpu.memory_space<semaphore_mem>>)
    %dma_start3A_17 = arith.constant 128 : i32
    %dma_start3A_18 = tpu.memref_slice %arg5[%dma_start3A_17] : memref<512xi32, #tpu.memory_space<vmem>> -> memref<64xi32, #tpu.memory_space<vmem>>
    %dma_start3A_19 = arith.constant 0 : i32
    %dma_start3A_20 = arith.constant 0 : i32
    %dma_start3A_21 = tpu.memref_slice %arg6[%dma_start3A_19, %dma_start3A_20] : memref<9x128xf32, #tpu.memory_space<vmem_shared>> -> memref<9x128xf32, #tpu.memory_space<vmem_shared>>
    tpu.enqueue_indirect_dma source(%dma_start3A_21 : memref<9x128xf32, #tpu.memory_space<vmem_shared>>) target(%arg9 : memref<64x128xf32, #tpu.memory_space<vmem>>) offsets(%dma_start3A_18 : memref<64xi32, #tpu.memory_space<vmem>>) semaphore(%arg12 : memref<!tpu.dma_semaphore, #tpu.memory_space<semaphore_mem>>)
    %dma_wait3A_22 = arith.constant 0 : i32
    %dma_wait3A_23 = tpu.memref_slice %arg5[%dma_wait3A_22] : memref<512xi32, #tpu.memory_space<vmem>> -> memref<64xi32, #tpu.memory_space<vmem>>
    %dma_wait3A_24 = arith.constant 0 : i32
    %dma_wait3A_25 = arith.constant 0 : i32
    %dma_wait3A_26 = tpu.memref_slice %arg6[%dma_wait3A_24, %dma_wait3A_25] : memref<9x128xf32, #tpu.memory_space<vmem_shared>> -> memref<9x128xf32, #tpu.memory_space<vmem_shared>>
    tpu.wait_indirect_dma semaphore(%arg10 : memref<!tpu.dma_semaphore, #tpu.memory_space<semaphore_mem>>) src(%dma_wait3A_26 : memref<9x128xf32, #tpu.memory_space<vmem_shared>>) dst(%arg7 : memref<64x128xf32, #tpu.memory_space<vmem>>)
    %add3A_27 = arith.constant 0 : i32
    %add3A_28 = arith.addi %mul3A_2, %add3A_27 : i32
    %dma_start3A_29 = arith.constant 0 : i32
    %dma_start3A_30 = tpu.memref_slice %arg4[%add3A_28, %dma_start3A_29] : memref<16384x128xf32, #tpu.memory_space<hbm>> -> memref<64x128xf32, #tpu.memory_space<hbm>>
    %dma_start3A_31 = arith.constant 0 : i32
    %dma_start3A_32 = tpu.memref_slice %arg4[%add3A_28, %dma_start3A_31] : memref<16384x128xf32, #tpu.memory_space<hbm>> -> memref<64x128xf32, #tpu.memory_space<hbm>>
    tpu.enqueue_dma source(%arg7 : memref<64x128xf32, #tpu.memory_space<vmem>>) target(%dma_start3A_32 : memref<64x128xf32, #tpu.memory_space<hbm>>) target_semaphore(%arg13 : memref<!tpu.dma_semaphore, #tpu.memory_space<semaphore_mem>>)
    %dma_wait3A_33 = arith.constant 0 : i32
    %dma_wait3A_34 = tpu.memref_slice %arg4[%add3A_28, %dma_wait3A_33] : memref<16384x128xf32, #tpu.memory_space<hbm>> -> memref<64x128xf32, #tpu.memory_space<hbm>>
    %dma_wait3A_35 = arith.constant 0 : i32
    %dma_wait3A_36 = tpu.memref_slice %arg4[%add3A_28, %dma_wait3A_35] : memref<16384x128xf32, #tpu.memory_space<hbm>> -> memref<64x128xf32, #tpu.memory_space<hbm>>
    tpu.wait_dma2 semaphore(%arg13 : memref<!tpu.dma_semaphore, #tpu.memory_space<semaphore_mem>>) src(%arg7 : memref<64x128xf32, #tpu.memory_space<vmem>>) dst(%dma_wait3A_36 : memref<64x128xf32, #tpu.memory_space<hbm>>)
    %dma_start3A_37 = arith.constant 192 : i32
    %dma_start3A_38 = tpu.memref_slice %arg5[%dma_start3A_37] : memref<512xi32, #tpu.memory_space<vmem>> -> memref<64xi32, #tpu.memory_space<vmem>>
    %dma_start3A_39 = arith.constant 0 : i32
    %dma_start3A_40 = arith.constant 0 : i32
    %dma_start3A_41 = tpu.memref_slice %arg6[%dma_start3A_39, %dma_start3A_40] : memref<9x128xf32, #tpu.memory_space<vmem_shared>> -> memref<9x128xf32, #tpu.memory_space<vmem_shared>>
    tpu.enqueue_indirect_dma source(%dma_start3A_41 : memref<9x128xf32, #tpu.memory_space<vmem_shared>>) target(%arg7 : memref<64x128xf32, #tpu.memory_space<vmem>>) offsets(%dma_start3A_38 : memref<64xi32, #tpu.memory_space<vmem>>) semaphore(%arg10 : memref<!tpu.dma_semaphore, #tpu.memory_space<semaphore_mem>>)
    %dma_wait3A_42 = arith.constant 64 : i32
    %dma_wait3A_43 = tpu.memref_slice %arg5[%dma_wait3A_42] : memref<512xi32, #tpu.memory_space<vmem>> -> memref<64xi32, #tpu.memory_space<vmem>>
    %dma_wait3A_44 = arith.constant 0 : i32
    %dma_wait3A_45 = arith.constant 0 : i32
    %dma_wait3A_46 = tpu.memref_slice %arg6[%dma_wait3A_44, %dma_wait3A_45] : memref<9x128xf32, #tpu.memory_space<vmem_shared>> -> memref<9x128xf32, #tpu.memory_space<vmem_shared>>
    tpu.wait_indirect_dma semaphore(%arg11 : memref<!tpu.dma_semaphore, #tpu.memory_space<semaphore_mem>>) src(%dma_wait3A_46 : memref<9x128xf32, #tpu.memory_space<vmem_shared>>) dst(%arg8 : memref<64x128xf32, #tpu.memory_space<vmem>>)
    %add3A_47 = arith.constant 64 : i32
    %add3A_48 = arith.addi %mul3A_2, %add3A_47 : i32
    %dma_start3A_49 = arith.constant 0 : i32
    %dma_start3A_50 = tpu.memref_slice %arg4[%add3A_48, %dma_start3A_49] : memref<16384x128xf32, #tpu.memory_space<hbm>> -> memref<64x128xf32, #tpu.memory_space<hbm>>
    %dma_start3A_51 = arith.constant 0 : i32
    %dma_start3A_52 = tpu.memref_slice %arg4[%add3A_48, %dma_start3A_51] : memref<16384x128xf32, #tpu.memory_space<hbm>> -> memref<64x128xf32, #tpu.memory_space<hbm>>
    tpu.enqueue_dma source(%arg8 : memref<64x128xf32, #tpu.memory_space<vmem>>) target(%dma_start3A_52 : memref<64x128xf32, #tpu.memory_space<hbm>>) target_semaphore(%arg14 : memref<!tpu.dma_semaphore, #tpu.memory_space<semaphore_mem>>)
    %dma_wait3A_53 = arith.constant 0 : i32
    %dma_wait3A_54 = tpu.memref_slice %arg4[%add3A_48, %dma_wait3A_53] : memref<16384x128xf32, #tpu.memory_space<hbm>> -> memref<64x128xf32, #tpu.memory_space<hbm>>
    %dma_wait3A_55 = arith.constant 0 : i32
    %dma_wait3A_56 = tpu.memref_slice %arg4[%add3A_48, %dma_wait3A_55] : memref<16384x128xf32, #tpu.memory_space<hbm>> -> memref<64x128xf32, #tpu.memory_space<hbm>>
    tpu.wait_dma2 semaphore(%arg14 : memref<!tpu.dma_semaphore, #tpu.memory_space<semaphore_mem>>) src(%arg8 : memref<64x128xf32, #tpu.memory_space<vmem>>) dst(%dma_wait3A_56 : memref<64x128xf32, #tpu.memory_space<hbm>>)
    %dma_start3A_57 = arith.constant 256 : i32
    %dma_start3A_58 = tpu.memref_slice %arg5[%dma_start3A_57] : memref<512xi32, #tpu.memory_space<vmem>> -> memref<64xi32, #tpu.memory_space<vmem>>
    %dma_start3A_59 = arith.constant 0 : i32
    %dma_start3A_60 = arith.constant 0 : i32
    %dma_start3A_61 = tpu.memref_slice %arg6[%dma_start3A_59, %dma_start3A_60] : memref<9x128xf32, #tpu.memory_space<vmem_shared>> -> memref<9x128xf32, #tpu.memory_space<vmem_shared>>
    tpu.enqueue_indirect_dma source(%dma_start3A_61 : memref<9x128xf32, #tpu.memory_space<vmem_shared>>) target(%arg8 : memref<64x128xf32, #tpu.memory_space<vmem>>) offsets(%dma_start3A_58 : memref<64xi32, #tpu.memory_space<vmem>>) semaphore(%arg11 : memref<!tpu.dma_semaphore, #tpu.memory_space<semaphore_mem>>)
    %dma_wait3A_62 = arith.constant 128 : i32
    %dma_wait3A_63 = tpu.memref_slice %arg5[%dma_wait3A_62] : memref<512xi32, #tpu.memory_space<vmem>> -> memref<64xi32, #tpu.memory_space<vmem>>
    %dma_wait3A_64 = arith.constant 0 : i32
    %dma_wait3A_65 = arith.constant 0 : i32
    %dma_wait3A_66 = tpu.memref_slice %arg6[%dma_wait3A_64, %dma_wait3A_65] : memref<9x128xf32, #tpu.memory_space<vmem_shared>> -> memref<9x128xf32, #tpu.memory_space<vmem_shared>>
    tpu.wait_indirect_dma semaphore(%arg12 : memref<!tpu.dma_semaphore, #tpu.memory_space<semaphore_mem>>) src(%dma_wait3A_66 : memref<9x128xf32, #tpu.memory_space<vmem_shared>>) dst(%arg9 : memref<64x128xf32, #tpu.memory_space<vmem>>)
    %add3A_67 = arith.constant 128 : i32
    %add3A_68 = arith.addi %mul3A_2, %add3A_67 : i32
    %dma_start3A_69 = arith.constant 0 : i32
    %dma_start3A_70 = tpu.memref_slice %arg4[%add3A_68, %dma_start3A_69] : memref<16384x128xf32, #tpu.memory_space<hbm>> -> memref<64x128xf32, #tpu.memory_space<hbm>>
    %dma_start3A_71 = arith.constant 0 : i32
    %dma_start3A_72 = tpu.memref_slice %arg4[%add3A_68, %dma_start3A_71] : memref<16384x128xf32, #tpu.memory_space<hbm>> -> memref<64x128xf32, #tpu.memory_space<hbm>>
    tpu.enqueue_dma source(%arg9 : memref<64x128xf32, #tpu.memory_space<vmem>>) target(%dma_start3A_72 : memref<64x128xf32, #tpu.memory_space<hbm>>) target_semaphore(%arg15 : memref<!tpu.dma_semaphore, #tpu.memory_space<semaphore_mem>>)
    %dma_wait3A_73 = arith.constant 0 : i32
    %dma_wait3A_74 = tpu.memref_slice %arg4[%add3A_68, %dma_wait3A_73] : memref<16384x128xf32, #tpu.memory_space<hbm>> -> memref<64x128xf32, #tpu.memory_space<hbm>>
    %dma_wait3A_75 = arith.constant 0 : i32
    %dma_wait3A_76 = tpu.memref_slice %arg4[%add3A_68, %dma_wait3A_75] : memref<16384x128xf32, #tpu.memory_space<hbm>> -> memref<64x128xf32, #tpu.memory_space<hbm>>
    tpu.wait_dma2 semaphore(%arg15 : memref<!tpu.dma_semaphore, #tpu.memory_space<semaphore_mem>>) src(%arg9 : memref<64x128xf32, #tpu.memory_space<vmem>>) dst(%dma_wait3A_76 : memref<64x128xf32, #tpu.memory_space<hbm>>)
    %dma_start3A_77 = arith.constant 320 : i32
    %dma_start3A_78 = tpu.memref_slice %arg5[%dma_start3A_77] : memref<512xi32, #tpu.memory_space<vmem>> -> memref<64xi32, #tpu.memory_space<vmem>>
    %dma_start3A_79 = arith.constant 0 : i32
    %dma_start3A_80 = arith.constant 0 : i32
    %dma_start3A_81 = tpu.memref_slice %arg6[%dma_start3A_79, %dma_start3A_80] : memref<9x128xf32, #tpu.memory_space<vmem_shared>> -> memref<9x128xf32, #tpu.memory_space<vmem_shared>>
    tpu.enqueue_indirect_dma source(%dma_start3A_81 : memref<9x128xf32, #tpu.memory_space<vmem_shared>>) target(%arg9 : memref<64x128xf32, #tpu.memory_space<vmem>>) offsets(%dma_start3A_78 : memref<64xi32, #tpu.memory_space<vmem>>) semaphore(%arg12 : memref<!tpu.dma_semaphore, #tpu.memory_space<semaphore_mem>>)
    %dma_wait3A_82 = arith.constant 192 : i32
    %dma_wait3A_83 = tpu.memref_slice %arg5[%dma_wait3A_82] : memref<512xi32, #tpu.memory_space<vmem>> -> memref<64xi32, #tpu.memory_space<vmem>>
    %dma_wait3A_84 = arith.constant 0 : i32
    %dma_wait3A_85 = arith.constant 0 : i32
    %dma_wait3A_86 = tpu.memref_slice %arg6[%dma_wait3A_84, %dma_wait3A_85] : memref<9x128xf32, #tpu.memory_space<vmem_shared>> -> memref<9x128xf32, #tpu.memory_space<vmem_shared>>
    tpu.wait_indirect_dma semaphore(%arg10 : memref<!tpu.dma_semaphore, #tpu.memory_space<semaphore_mem>>) src(%dma_wait3A_86 : memref<9x128xf32, #tpu.memory_space<vmem_shared>>) dst(%arg7 : memref<64x128xf32, #tpu.memory_space<vmem>>)
    %add3A_87 = arith.constant 192 : i32
    %add3A_88 = arith.addi %mul3A_2, %add3A_87 : i32
    %dma_start3A_89 = arith.constant 0 : i32
    %dma_start3A_90 = tpu.memref_slice %arg4[%add3A_88, %dma_start3A_89] : memref<16384x128xf32, #tpu.memory_space<hbm>> -> memref<64x128xf32, #tpu.memory_space<hbm>>
    %dma_start3A_91 = arith.constant 0 : i32
    %dma_start3A_92 = tpu.memref_slice %arg4[%add3A_88, %dma_start3A_91] : memref<16384x128xf32, #tpu.memory_space<hbm>> -> memref<64x128xf32, #tpu.memory_space<hbm>>
    tpu.enqueue_dma source(%arg7 : memref<64x128xf32, #tpu.memory_space<vmem>>) target(%dma_start3A_92 : memref<64x128xf32, #tpu.memory_space<hbm>>) target_semaphore(%arg13 : memref<!tpu.dma_semaphore, #tpu.memory_space<semaphore_mem>>)
    %dma_wait3A_93 = arith.constant 0 : i32
    %dma_wait3A_94 = tpu.memref_slice %arg4[%add3A_88, %dma_wait3A_93] : memref<16384x128xf32, #tpu.memory_space<hbm>> -> memref<64x128xf32, #tpu.memory_space<hbm>>
    %dma_wait3A_95 = arith.constant 0 : i32
    %dma_wait3A_96 = tpu.memref_slice %arg4[%add3A_88, %dma_wait3A_95] : memref<16384x128xf32, #tpu.memory_space<hbm>> -> memref<64x128xf32, #tpu.memory_space<hbm>>
    tpu.wait_dma2 semaphore(%arg13 : memref<!tpu.dma_semaphore, #tpu.memory_space<semaphore_mem>>) src(%arg7 : memref<64x128xf32, #tpu.memory_space<vmem>>) dst(%dma_wait3A_96 : memref<64x128xf32, #tpu.memory_space<hbm>>)
    %dma_start3A_97 = arith.constant 384 : i32
    %dma_start3A_98 = tpu.memref_slice %arg5[%dma_start3A_97] : memref<512xi32, #tpu.memory_space<vmem>> -> memref<64xi32, #tpu.memory_space<vmem>>
    %dma_start3A_99 = arith.constant 0 : i32
    %dma_start3A_100 = arith.constant 0 : i32
    %dma_start3A_101 = tpu.memref_slice %arg6[%dma_start3A_99, %dma_start3A_100] : memref<9x128xf32, #tpu.memory_space<vmem_shared>> -> memref<9x128xf32, #tpu.memory_space<vmem_shared>>
    tpu.enqueue_indirect_dma source(%dma_start3A_101 : memref<9x128xf32, #tpu.memory_space<vmem_shared>>) target(%arg7 : memref<64x128xf32, #tpu.memory_space<vmem>>) offsets(%dma_start3A_98 : memref<64xi32, #tpu.memory_space<vmem>>) semaphore(%arg10 : memref<!tpu.dma_semaphore, #tpu.memory_space<semaphore_mem>>)
    %dma_wait3A_102 = arith.constant 256 : i32
    %dma_wait3A_103 = tpu.memref_slice %arg5[%dma_wait3A_102] : memref<512xi32, #tpu.memory_space<vmem>> -> memref<64xi32, #tpu.memory_space<vmem>>
    %dma_wait3A_104 = arith.constant 0 : i32
    %dma_wait3A_105 = arith.constant 0 : i32
    %dma_wait3A_106 = tpu.memref_slice %arg6[%dma_wait3A_104, %dma_wait3A_105] : memref<9x128xf32, #tpu.memory_space<vmem_shared>> -> memref<9x128xf32, #tpu.memory_space<vmem_shared>>
    tpu.wait_indirect_dma semaphore(%arg11 : memref<!tpu.dma_semaphore, #tpu.memory_space<semaphore_mem>>) src(%dma_wait3A_106 : memref<9x128xf32, #tpu.memory_space<vmem_shared>>) dst(%arg8 : memref<64x128xf32, #tpu.memory_space<vmem>>)
    %add3A_107 = arith.constant 256 : i32
    %add3A_108 = arith.addi %mul3A_2, %add3A_107 : i32
    %dma_start3A_109 = arith.constant 0 : i32
    %dma_start3A_110 = tpu.memref_slice %arg4[%add3A_108, %dma_start3A_109] : memref<16384x128xf32, #tpu.memory_space<hbm>> -> memref<64x128xf32, #tpu.memory_space<hbm>>
    %dma_start3A_111 = arith.constant 0 : i32
    %dma_start3A_112 = tpu.memref_slice %arg4[%add3A_108, %dma_start3A_111] : memref<16384x128xf32, #tpu.memory_space<hbm>> -> memref<64x128xf32, #tpu.memory_space<hbm>>
    tpu.enqueue_dma source(%arg8 : memref<64x128xf32, #tpu.memory_space<vmem>>) target(%dma_start3A_112 : memref<64x128xf32, #tpu.memory_space<hbm>>) target_semaphore(%arg14 : memref<!tpu.dma_semaphore, #tpu.memory_space<semaphore_mem>>)
    %dma_wait3A_113 = arith.constant 0 : i32
    %dma_wait3A_114 = tpu.memref_slice %arg4[%add3A_108, %dma_wait3A_113] : memref<16384x128xf32, #tpu.memory_space<hbm>> -> memref<64x128xf32, #tpu.memory_space<hbm>>
    %dma_wait3A_115 = arith.constant 0 : i32
    %dma_wait3A_116 = tpu.memref_slice %arg4[%add3A_108, %dma_wait3A_115] : memref<16384x128xf32, #tpu.memory_space<hbm>> -> memref<64x128xf32, #tpu.memory_space<hbm>>
    tpu.wait_dma2 semaphore(%arg14 : memref<!tpu.dma_semaphore, #tpu.memory_space<semaphore_mem>>) src(%arg8 : memref<64x128xf32, #tpu.memory_space<vmem>>) dst(%dma_wait3A_116 : memref<64x128xf32, #tpu.memory_space<hbm>>)
    %dma_start3A_117 = arith.constant 448 : i32
    %dma_start3A_118 = tpu.memref_slice %arg5[%dma_start3A_117] : memref<512xi32, #tpu.memory_space<vmem>> -> memref<64xi32, #tpu.memory_space<vmem>>
    %dma_start3A_119 = arith.constant 0 : i32
    %dma_start3A_120 = arith.constant 0 : i32
    %dma_start3A_121 = tpu.memref_slice %arg6[%dma_start3A_119, %dma_start3A_120] : memref<9x128xf32, #tpu.memory_space<vmem_shared>> -> memref<9x128xf32, #tpu.memory_space<vmem_shared>>
    tpu.enqueue_indirect_dma source(%dma_start3A_121 : memref<9x128xf32, #tpu.memory_space<vmem_shared>>) target(%arg8 : memref<64x128xf32, #tpu.memory_space<vmem>>) offsets(%dma_start3A_118 : memref<64xi32, #tpu.memory_space<vmem>>) semaphore(%arg11 : memref<!tpu.dma_semaphore, #tpu.memory_space<semaphore_mem>>)
    %dma_wait3A_122 = arith.constant 320 : i32
    %dma_wait3A_123 = tpu.memref_slice %arg5[%dma_wait3A_122] : memref<512xi32, #tpu.memory_space<vmem>> -> memref<64xi32, #tpu.memory_space<vmem>>
    %dma_wait3A_124 = arith.constant 0 : i32
    %dma_wait3A_125 = arith.constant 0 : i32
    %dma_wait3A_126 = tpu.memref_slice %arg6[%dma_wait3A_124, %dma_wait3A_125] : memref<9x128xf32, #tpu.memory_space<vmem_shared>> -> memref<9x128xf32, #tpu.memory_space<vmem_shared>>
    tpu.wait_indirect_dma semaphore(%arg12 : memref<!tpu.dma_semaphore, #tpu.memory_space<semaphore_mem>>) src(%dma_wait3A_126 : memref<9x128xf32, #tpu.memory_space<vmem_shared>>) dst(%arg9 : memref<64x128xf32, #tpu.memory_space<vmem>>)
    %add3A_127 = arith.constant 320 : i32
    %add3A_128 = arith.addi %mul3A_2, %add3A_127 : i32
    %dma_start3A_129 = arith.constant 0 : i32
    %dma_start3A_130 = tpu.memref_slice %arg4[%add3A_128, %dma_start3A_129] : memref<16384x128xf32, #tpu.memory_space<hbm>> -> memref<64x128xf32, #tpu.memory_space<hbm>>
    %dma_start3A_131 = arith.constant 0 : i32
    %dma_start3A_132 = tpu.memref_slice %arg4[%add3A_128, %dma_start3A_131] : memref<16384x128xf32, #tpu.memory_space<hbm>> -> memref<64x128xf32, #tpu.memory_space<hbm>>
    tpu.enqueue_dma source(%arg9 : memref<64x128xf32, #tpu.memory_space<vmem>>) target(%dma_start3A_132 : memref<64x128xf32, #tpu.memory_space<hbm>>) target_semaphore(%arg15 : memref<!tpu.dma_semaphore, #tpu.memory_space<semaphore_mem>>)
    %dma_wait3A_133 = arith.constant 384 : i32
    %dma_wait3A_134 = tpu.memref_slice %arg5[%dma_wait3A_133] : memref<512xi32, #tpu.memory_space<vmem>> -> memref<64xi32, #tpu.memory_space<vmem>>
    %dma_wait3A_135 = arith.constant 0 : i32
    %dma_wait3A_136 = arith.constant 0 : i32
    %dma_wait3A_137 = tpu.memref_slice %arg6[%dma_wait3A_135, %dma_wait3A_136] : memref<9x128xf32, #tpu.memory_space<vmem_shared>> -> memref<9x128xf32, #tpu.memory_space<vmem_shared>>
    tpu.wait_indirect_dma semaphore(%arg10 : memref<!tpu.dma_semaphore, #tpu.memory_space<semaphore_mem>>) src(%dma_wait3A_137 : memref<9x128xf32, #tpu.memory_space<vmem_shared>>) dst(%arg7 : memref<64x128xf32, #tpu.memory_space<vmem>>)
    %add3A_138 = arith.constant 384 : i32
    %add3A_139 = arith.addi %mul3A_2, %add3A_138 : i32
    %dma_start3A_140 = arith.constant 0 : i32
    %dma_start3A_141 = tpu.memref_slice %arg4[%add3A_139, %dma_start3A_140] : memref<16384x128xf32, #tpu.memory_space<hbm>> -> memref<64x128xf32, #tpu.memory_space<hbm>>
    %dma_start3A_142 = arith.constant 0 : i32
    %dma_start3A_143 = tpu.memref_slice %arg4[%add3A_139, %dma_start3A_142] : memref<16384x128xf32, #tpu.memory_space<hbm>> -> memref<64x128xf32, #tpu.memory_space<hbm>>
    tpu.enqueue_dma source(%arg7 : memref<64x128xf32, #tpu.memory_space<vmem>>) target(%dma_start3A_143 : memref<64x128xf32, #tpu.memory_space<hbm>>) target_semaphore(%arg13 : memref<!tpu.dma_semaphore, #tpu.memory_space<semaphore_mem>>)
    %dma_wait3A_144 = arith.constant 448 : i32
    %dma_wait3A_145 = tpu.memref_slice %arg5[%dma_wait3A_144] : memref<512xi32, #tpu.memory_space<vmem>> -> memref<64xi32, #tpu.memory_space<vmem>>
    %dma_wait3A_146 = arith.constant 0 : i32
    %dma_wait3A_147 = arith.constant 0 : i32
    %dma_wait3A_148 = tpu.memref_slice %arg6[%dma_wait3A_146, %dma_wait3A_147] : memref<9x128xf32, #tpu.memory_space<vmem_shared>> -> memref<9x128xf32, #tpu.memory_space<vmem_shared>>
    tpu.wait_indirect_dma semaphore(%arg11 : memref<!tpu.dma_semaphore, #tpu.memory_space<semaphore_mem>>) src(%dma_wait3A_148 : memref<9x128xf32, #tpu.memory_space<vmem_shared>>) dst(%arg8 : memref<64x128xf32, #tpu.memory_space<vmem>>)
    %add3A_149 = arith.constant 448 : i32
    %add3A_150 = arith.addi %mul3A_2, %add3A_149 : i32
    %dma_start3A_151 = arith.constant 0 : i32
    %dma_start3A_152 = tpu.memref_slice %arg4[%add3A_150, %dma_start3A_151] : memref<16384x128xf32, #tpu.memory_space<hbm>> -> memref<64x128xf32, #tpu.memory_space<hbm>>
    %dma_start3A_153 = arith.constant 0 : i32
    %dma_start3A_154 = tpu.memref_slice %arg4[%add3A_150, %dma_start3A_153] : memref<16384x128xf32, #tpu.memory_space<hbm>> -> memref<64x128xf32, #tpu.memory_space<hbm>>
    tpu.enqueue_dma source(%arg8 : memref<64x128xf32, #tpu.memory_space<vmem>>) target(%dma_start3A_154 : memref<64x128xf32, #tpu.memory_space<hbm>>) target_semaphore(%arg14 : memref<!tpu.dma_semaphore, #tpu.memory_space<semaphore_mem>>)
    %dma_wait3A_155 = arith.constant 0 : i32
    %dma_wait3A_156 = tpu.memref_slice %arg4[%add3A_128, %dma_wait3A_155] : memref<16384x128xf32, #tpu.memory_space<hbm>> -> memref<64x128xf32, #tpu.memory_space<hbm>>
    %dma_wait3A_157 = arith.constant 0 : i32
    %dma_wait3A_158 = tpu.memref_slice %arg4[%add3A_128, %dma_wait3A_157] : memref<16384x128xf32, #tpu.memory_space<hbm>> -> memref<64x128xf32, #tpu.memory_space<hbm>>
    tpu.wait_dma2 semaphore(%arg15 : memref<!tpu.dma_semaphore, #tpu.memory_space<semaphore_mem>>) src(%arg9 : memref<64x128xf32, #tpu.memory_space<vmem>>) dst(%dma_wait3A_158 : memref<64x128xf32, #tpu.memory_space<hbm>>)
    %dma_wait3A_159 = arith.constant 0 : i32
    %dma_wait3A_160 = tpu.memref_slice %arg4[%add3A_139, %dma_wait3A_159] : memref<16384x128xf32, #tpu.memory_space<hbm>> -> memref<64x128xf32, #tpu.memory_space<hbm>>
    %dma_wait3A_161 = arith.constant 0 : i32
    %dma_wait3A_162 = tpu.memref_slice %arg4[%add3A_139, %dma_wait3A_161] : memref<16384x128xf32, #tpu.memory_space<hbm>> -> memref<64x128xf32, #tpu.memory_space<hbm>>
    tpu.wait_dma2 semaphore(%arg13 : memref<!tpu.dma_semaphore, #tpu.memory_space<semaphore_mem>>) src(%arg7 : memref<64x128xf32, #tpu.memory_space<vmem>>) dst(%dma_wait3A_162 : memref<64x128xf32, #tpu.memory_space<hbm>>)
    %dma_wait3A_163 = arith.constant 0 : i32
    %dma_wait3A_164 = tpu.memref_slice %arg4[%add3A_150, %dma_wait3A_163] : memref<16384x128xf32, #tpu.memory_space<hbm>> -> memref<64x128xf32, #tpu.memory_space<hbm>>
    %dma_wait3A_165 = arith.constant 0 : i32
    %dma_wait3A_166 = tpu.memref_slice %arg4[%add3A_150, %dma_wait3A_165] : memref<16384x128xf32, #tpu.memory_space<hbm>> -> memref<64x128xf32, #tpu.memory_space<hbm>>
    tpu.wait_dma2 semaphore(%arg14 : memref<!tpu.dma_semaphore, #tpu.memory_space<semaphore_mem>>) src(%arg8 : memref<64x128xf32, #tpu.memory_space<vmem>>) dst(%dma_wait3A_166 : memref<64x128xf32, #tpu.memory_space<hbm>>)
    return
  }
}

</mosaic_0001>

<sc_bundles>
// kernel: kernel.3.cloned.1.call-start
scs
__scs_entry_jumppad:
0x0: {  	(pc) =	sbr.rel $0x88, $3  }
0x1: {  	(tag) =	ssettag $0x0;
	lr =	simm.s32 $0x1  }
0x2: {  	[smem:$0x3F9F] =	sst lr;
	_ =	strace $0xD0000000  }
0x3: {  	_ = 	snop  }
0x4: {  	_ = 	snop  }
0x5: {  	_ = 	snop  }
0x6: {  	_ = 	snop  }
0x7: {  	_ = 	snop  }
__scs_overlays_trampoline_lowered:
0x8: {  	[smem:$0x3FAE] =	sst s0  }
0x9: {  	[smem:$0x3FAF] =	sst s1  }
0xa: {  	[smem:$0x3FB0] =	sst s2  }
0xb: {  	[smem:$0x3FB1] =	sst s3  }
0xc: {  	[smem:$0x3FB2] =	sst s4  }
0xd: {  	[smem:$0x3FB3] =	sst s5  }
0xe: {  	[smem:$0x3FB4] =	sst s6  }
0xf: {  	[smem:$0x3FB5] =	sst s7  }
0x10: {  	[smem:$0x3FB6] =	sst s8  }
0x11: {  	[smem:$0x3FB7] =	sst s9;
	s0 =	simm.s32 @!p0 $0x0  }
0x12: {  	s1 =	sld [smem:$0x3F9D];
	s0 =	simm.s32 @p0 $0x1  }
0x13: {  	[smem:$0x3FB8] =	sst s0;
	s0 =	simm.s32 @!p1 $0x0  }
0x14: {  	s2 =	sld [smem:$0x3F9C];
	s0 =	simm.s32 @p1 $0x1  }
0x15: {  	[smem:$0x3FB9] =	sst s0;
	s0 =	simm.s32 @!p2 $0x0  }
0x16: {  	s3 =	sld [smem:$0x3FDB];
	s0 =	simm.s32 @p2 $0x1  }
0x17: {  	s4 =	simm.s32 $0x1BF5;
	[smem:$0x3FBB] =	sst s0  }
0x18: {  	s0 =	sld [smem:$0x3F9E];
	_ =	swait.ge [sflag:s4], $0x0  }
0x19: {  	s7 =	sld [smem:$0x3F9F]  }
0x1a: {  	s8 =	sadd.s32 $0xFFFFE003, lr  }
0x1b: {  	s9 =	sadd.s32 $0xFFFFFEF7, lr;
	s5 =	simm.s32 $0xFFFFFFFF;
	p2 =	slt.u32 s8, $0xFFFFF086  }
0x1c: {  	p1 =	slt.u32 s9, $0xF7A;
	s5 =	simm.s32 @!p2 $0x0  }
0x1d: {  	s5 =	simm.s32 @p1 $0x1;
	p0 =	seq.s32 s7, s2  }
0x1e: {  	s7 =	smul.u32 @!p0 $0xF7A, s2;
	p2 =	seq.s32 @!p0 s5, $0x0  }
0x1f: {  	s9 =	smul.u32 $0xF7A, s1;
	s8 =	simm.s32 @!p0 $0x1BF5;
	p2 =	por !p2, p0  }
0x20: {  	[sflag:s8] =	ssyncset.s32 @!p0 $0xFFFFF086;
	s6 =	sadd.s32 @!p0 s3, s7;
	s7 =	simm.s32 @!p0 $0x108  }
0x21: {  	s3 =	sadd.s32 s3, s9;
	s6 =	sadd.s32 @!p0 $0x88, s6;
	s7 =	simm.s32 @p2 $0x1082  }
0x22: {  	[simem:s7], [sflag:s8] =	dma.local @!p0 [hbm:s6], $0xF7A  }
0x23: {  	s9 =	sor.u32 $0xD0000000, s2;
	s6 =	simm.s32 $0x108;
	_ =	swait.ge @!p0 [sflag:s8], $0x0  }
0x24: {  	s3 =	sadd.s32 $0x88, s3;
	s6 =	simm.s32 @!p1 $0x1082;
	[sflag:s4] =	ssyncset.s32 $0xFFFFF086  }
0x25: {  	[simem:s6], [sflag:s4] =	dma.local [hbm:s3], $0xF7A  }
0x26: {  	[smem:$0x3F9F] =	sst s1;
	(tag) =	ssettag s2;
	_ =	strace s9  }
0x27: {  	s1 =	sld [smem:$0x3FAF]  }
0x28: {  	s2 =	sld [smem:$0x3FB0]  }
0x29: {  	s4 =	sld [smem:$0x3FB2]  }
0x2a: {  	p0 =	seq.s32 s5, $0x0;
	s5 =	sld [smem:$0x3FB3]  }
0x2b: {  	s6 =	sld [smem:$0x3FB4]  }
0x2c: {  	s7 =	sld [smem:$0x3FB5]  }
0x2d: {  	s3 =	simm.s32 $0x108;
	s8 =	sld [smem:$0x3FB6]  }
0x2e: {  	s3 =	simm.s32 @!p0 $0x1082;
	s9 =	sld [smem:$0x3FB7]  }
0x2f: {  	lr =	sadd.s32 s0, s3;
	s0 =	sld [smem:$0x3FAE]  }
0x30: {  	s3 =	sld [smem:$0x3FB1]  }
0x31: {  	[smem:$0x3FBA] =	sst s10  }
0x32: {  	s10 =	sld [smem:$0x3FB8];
	_ =	sdelay $0x3  }
0x33: {  	p0 =	seq.s32 s10, $0x1;
	s10 =	sld [smem:$0x3FBA];
	_ =	sdelay $0x3  }
0x34: {  	[smem:$0x3FBA] =	sst s10  }
0x35: {  	s10 =	sld [smem:$0x3FB9];
	_ =	sdelay $0x3  }
0x36: {  	p1 =	seq.s32 s10, $0x1;
	s10 =	sld [smem:$0x3FBA];
	_ =	sdelay $0x3  }
0x37: {  	[smem:$0x3FBA] =	sst s10  }
0x38: {  	s10 =	sld [smem:$0x3FBB]  }
0x39: {  	_ = 	snop;
	(pc) =	sbr.ind lr, $3  }
0x3a: {  	_ = 	snop  }
0x3b: {  	_ = 	snop  }
0x3c: {  	p2 =	seq.s32 s10, $0x1;
	s10 =	sld [smem:$0x3FBA]  }
0x3d: {  	_ =	shalt  }
0x3e: {  	_ =	shalt  }
0x3f: {  	_ =	shalt  }
0x40: {  	_ =	shalt  }
0x41: {  	_ =	shalt  }
0x42: {  	_ =	shalt  }
0x43: {  	_ =	shalt  }
0x44: {  	_ =	shalt  }
0x45: {  	_ =	shalt  }
0x46: {  	_ =	shalt  }
0x47: {  	_ =	shalt  }
0x48: {  	_ =	shalt  }
0x49: {  	_ =	shalt  }
0x4a: {  	_ =	shalt  }
0x4b: {  	_ =	shalt  }
0x4c: {  	_ =	shalt  }
0x4d: {  	_ =	shalt  }
0x4e: {  	_ =	shalt  }
0x4f: {  	_ =	shalt  }
0x50: {  	_ =	shalt  }
0x51: {  	_ =	shalt  }
0x52: {  	_ =	shalt  }
0x53: {  	_ =	shalt  }
0x54: {  	_ =	shalt  }
0x55: {  	_ =	shalt  }
0x56: {  	_ =	shalt  }
0x57: {  	_ =	shalt  }
0x58: {  	_ =	shalt  }
0x59: {  	_ =	shalt  }
0x5a: {  	_ =	shalt  }
0x5b: {  	_ =	shalt  }
0x5c: {  	_ =	shalt  }
0x5d: {  	_ =	shalt  }
0x5e: {  	_ =	shalt  }
0x5f: {  	_ =	shalt  }
0x60: {  	_ =	shalt  }
0x61: {  	_ =	shalt  }
0x62: {  	_ =	shalt  }
0x63: {  	_ =	shalt  }
0x64: {  	_ =	shalt  }
0x65: {  	_ =	shalt  }
0x66: {  	_ =	shalt  }
0x67: {  	_ =	shalt  }
0x68: {  	_ =	shalt  }
0x69: {  	_ =	shalt  }
0x6a: {  	_ =	shalt  }
0x6b: {  	_ =	shalt  }
0x6c: {  	_ =	shalt  }
0x6d: {  	_ =	shalt  }
0x6e: {  	_ =	shalt  }
0x6f: {  	_ =	shalt  }
0x70: {  	_ =	shalt  }
0x71: {  	_ =	shalt  }
0x72: {  	_ =	shalt  }
0x73: {  	_ =	shalt  }
0x74: {  	_ =	shalt  }
0x75: {  	_ =	shalt  }
0x76: {  	_ =	shalt  }
0x77: {  	_ =	shalt  }
0x78: {  	_ =	shalt  }
0x79: {  	_ =	shalt  }
0x7a: {  	_ =	shalt  }
0x7b: {  	_ =	shalt  }
0x7c: {  	_ =	shalt  }
0x7d: {  	_ =	shalt  }
0x7e: {  	_ =	shalt  }
0x7f: {  	_ =	shalt  }
0x80: {  	_ =	shalt  }
0x81: {  	_ =	shalt  }
0x82: {  	_ =	shalt  }
0x83: {  	_ =	shalt  }
0x84: {  	_ =	shalt  }
0x85: {  	_ =	shalt  }
0x86: {  	_ =	shalt  }
0x87: {  	_ =	shalt  }
.Lfunc_end0:
.L_simem_size_0:
called_computation_lowered:
.L_overlay_start_0:
0x88: {  	s2 =	sld [smem:$0x3FD9]  }
0x89: {  	s3 =	sld [smem:$0x3FFE];
	_ =	sdelay $0x1  }
0x8a: {  	s1 =	srdreg.scid  }
0x8b: {  	s0 =	sand.u32 $0x1, s1  }
0x8c: {  	s18 =	sshll.u32 s0, $0xA;
	s2 =	sadd.s32 s3, s2  }
0x8d: {  	s2 =	sadd.s32 s2, s18  }
0x8e: {  	[smem:$0x3FC6] =	sst s2  }
0x8f: {  	_ = 	snop  }
0x90: {  	s2 =	sld [smem:$0x3FC9]  }
0x91: {  	s19 =	sld [smem:$0x3FC8]  }
0x92: {  	s4 =	sld [smem:$0x3FD0];
	(tm) =	ssettm $0x1  }
0x93: {  	s5 =	sld [smem:$0x3FFB];
	_ =	sdelay $0x3  }
0x94: {  	_ =	strace s5  }
0x95: {  	s5 =	sld [smem:$0x3FFC];
	_ =	sdelay $0x3  }
0x96: {  	_ =	strace s5  }
0x97: {  	s5 =	sld [smem:$0x3FFD];
	_ =	sdelay $0x3  }
0x98: {  	_ =	strace s5  }
0x99: {  	_ =	strace $0x8FFFFFFF  }
0x9a: {  	s20 =	sld [smem:$0x3FDB];
	_ =	sdelay $0x1  }
0x9b: {  	s6 =	simm.s32 $_scs_section_size  }
0x9c: {  	s7 =	simm.s32 $_size__tile_overlayer_lowered;
	s8 =	simm.s32 $_tile_overlayer_lowered  }
0x9d: {  	s23 =	simm.s32 $0x1BFF;
	s22 =	sshll.u32 s8, $0x1;
	s5 =	sadd.s32 s6, s20  }
0x9e: {  	s9 =	simm.s32 $0x0;
	s21 =	sshll.u32 s7, $0x1;
	s7 =	sadd.s32 s22, s5  }
0x9f: {  	[timem:s9], [sflag:s23] =	dma.local [hbm:s7], s21  }
0xa0: {  	_ =	swait.ge [sflag:s23], s21  }
0xa1: {  	s6 =	ssub.s32 $0x0, s21;
	[sflag:s23] =	ssyncset.done $0x0  }
0xa2: {  	[sflag:s23] =	ssyncadd.s32 s6;
	_ =	sdelay $0x1  }
0xa3: {  	s24 =	simm.s32 $0x1B8B  }
0xa4: {  	_ =	swait.ge [sflag:s24], $0x1  }
0xa5: {  	[sflag:s24] =	ssyncset.done $0x0  }
0xa6: {  	s25 =	simm.s32 $0x1B8E;
	[sflag:s24] =	ssyncadd.s32 $0xFFFFFFFF  }
0xa7: {  	s26 =	simm.s32 $execute0_lowered;
	[smem:$0x3FD2] =	sst s25  }
0xa8: {  	s6 =	sshll.u32 s26, $0x1;
	_ =	strace $0x80000046;
	[dreg:$0x1] =	wrdreg $0xFFFFFFFF  }
0xa9: {  	s28 =	simm.s32 $_size_execute0_lowered;
	s5 =	sadd.s32 s5, s6;
	[dreg:$0x0] =	wrdreg $0x0  }
0xaa: {  	s6 =	sshll.u32 s28, $0x1;
	[dreg:$0x2] =	wrdreg s5  }
0xab: {  	[dreg:$0x3] =	wrdreg s6  }
0xac: {  	[dreg:$0x4] =	wrdreg $0xC0  }
0xad: {  	_ =	task [dreg:s9], $0x5FFFF  }
0xae: {  	[dreg:$0x1] =	wrdreg $0xFFFFFFFF  }
0xaf: {  	[dreg:$0x0] =	wrdreg $0x60  }
0xb0: {  	[dreg:$0x2] =	wrdreg s2  }
0xb1: {  	[dreg:$0x3] =	wrdreg s19  }
0xb2: {  	[dreg:$0x4] =	wrdreg s4  }
0xb3: {  	[dreg:$0x5] =	wrdreg $0x2000  }
0xb4: {  	[dreg:$0x6] =	wrdreg $0x9  }
0xb5: {  	_ =	task.clear_ibuf [dreg:s9], $0x7FFFF;
	_ =	strace $0x90000046  }
0xb6: {  	s29 =	simm.s32 $0x9;
	_ =	strace $0x80000048  }
0xb7: {  	_ =	swait.ge [sflag:s29], $0x1  }
0xb8: {  	[sflag:s29] =	ssyncadd.s32 $0xFFFFFFFF  }
0xb9: {  	_ =	strace $0x90000048  }
0xba: {  	_ =	sfence  }
0xbb: {  	s30 =	sld [smem:$0x0];
	_ =	sdelay $0x2  }
0xbc: {  	s31 =	sshll.u32 s1, $0xD;
	s1 =	sshrl.u32 s1, $0x2  }
0xbd: {  	s3 =	sand.u32 $0x4000, s31;
	s1 =	sadd.s32 s1, s30  }
0xbe: {  	s0 =	sor.u32 s3, s0;
	s1 =	sshll.u32 s1, $0x11  }
0xbf: {  	s0 =	sor.u32 s1, s0  }
0xc0: {  	s0 =	sadd.s32 $0x8F2B, s0  }
0xc1: {  	[sflag:s0] =	ssyncadd.remote.s32 $0x1  }
0xc2: {  	_ =	sfence.sel $0xFFFF  }
0xc3: {  	[dreg:$0x0] =	wrdreg $0xFFFFFFFF;
	(pc) =	sbr.abs _section_cstart, $3  }
0xc4: {  	[dreg:$0x1] =	wrdreg $0xFFFFFFFF  }
0xc5: {  	_ =	task.clear_ibuf [dreg:s9], $0x2FFFF;
	_ =	strace $0x9FFFFFFF  }
0xc6: {  	(tm) =	ssettm $0x7FFFFFFF  }
0xc7: {  	_ =	shalt  }
tec
execute0_lowered:
.L_overlay_start_1:
0x0: {  	(tag) =	ssettag $0x1  }
0x1: {  	s3 =	rddreg [dreg:$0x0]  }
0x2: {  	s0 =	rddreg [dreg:$0x1]  }
0x3: {  	s4 =	rddreg [dreg:$0x2]  }
0x4: {  	s2 =	srdreg.scid;
	s1 =	rddreg [dreg:$0x3]  }
0x5: {  	s5 =	stileid.u32;
	[dreg:$0x5] =	wrdreg s0;
	s31 =	sand.u32 $0x1, s2  }
0x6: {  	s6 =	sshll.u32 s5, $0xA;
	s2 =	simm.s32 $0x0;
	s7 =	sshll.u32 s31, $0x9  }
0x7: {  	[smem:$0x7FF] =	sst s2;
	s6 =	sor.u32 s7, s6  }
0x8: {  	_ =	strace $0x80000047;
	s7 =	sshrl.u32 s6, $0x3;
	s6 =	sshll.u32 s6, $0x4  }
0x9: {  	s8 =	rddreg [dreg:$0x5];
	s7 =	sadd.s32 s3, s7;
	s3 =	sadd.s32 s4, s6  }
0xa: {  	p0 =	sne.s32 s5, $0x0;
	[dreg:$0x6] =	wrdreg s7;
	s4 =	sadd.s32 $0x400, s3  }
0xb: {  	s0 =	simm.s32 @!p0 $0x1C08;
	[dreg:$0x7] =	wrdreg s4  }
0xc: {  	s6 =	simm.s32 @!p0 $0x8;
	s7 =	rddreg [dreg:$0x6];
	s4 =	sshrl.u32 @!p0 s1, $0x3  }
0xd: {  	[tilespmem:s2], [sflag:$0x7] =	stream.linear.gather [hbm4b:s7+s2], $0x200, $0x38;
	[tilespmem:$0x6248] =	vst v63  }
0xe: {  	[spmem:s4], [sflag:s0] =	dma.local @!p0 [hbm:s8], $0x90  }
0xf: {  	_ =	swait.ge @!p0 [sflag:s6], $0x90  }
0x10: {  	[sflag:s6] =	ssyncset.done @!p0 $0x0  }
0x11: {  	s7 =	simm.s32 $0x7;
	[sflag:s6] =	ssyncadd.s32 @!p0 $0xFFFFFF70  }
0x12: {  	_ =	swait.ge [sflag:s7], $0x200  }
0x13: {  	[sflag:s7] =	ssyncset.done $0x0  }
0x14: {  	[sflag:s7] =	ssyncadd.s32 $0xFFFFFE00  }
0x15: {  	s9 =	simm.s32 $0x248;
	s8 =	simm.s32 $0x40;
	[bflag:$0x0] =	sbarrier.arrive $0xFFFF  }
0x16: {  	[tilespmem:s9], [sflag:$0x1] =	stream.indirect.gather [spmem:s1], $0x80, s2, s8, $0xb8;
	[tilespmem:$0x6248] =	vst v63  }
0x17: {  	s10 =	simm.s32 $0x2248  }
0x18: {  	[tilespmem:s10], [sflag:$0x2] =	stream.indirect.gather [spmem:s1], $0x80, s8, s8, $0xb8;
	[tilespmem:$0x6248] =	vst v63  }
0x19: {  	s11 =	simm.s32 $0x80;
	s12 =	simm.s32 $0x4248;
	s13 =	simm.s32 $0x1  }
0x1a: {  	[tilespmem:s12], [sflag:$0x3] =	stream.indirect.gather [spmem:s1], $0x80, s11, s8, $0xb8;
	[tilespmem:$0x6248] =	vst v63  }
0x1b: {  	_ =	swait.ge [sflag:s13], $0x2000  }
0x1c: {  	[sflag:s13] =	ssyncset.done $0x0  }
0x1d: {  	s14 =	simm.s32 $0x4;
	[sflag:s13] =	ssyncadd.s32 $0xFFFFE000  }
0x1e: {  	[hbm4b:s3+s2] =	stream.linear.scatter [tilespmem:s9], [sflag:$0x4], $0x2000, $0x38;
	[tilespmem:$0x6248] =	vst v63  }
0x1f: {  	_ =	swait.ge [sflag:s14], $0x2000  }
0x20: {  	[sflag:s14] =	ssyncset.done $0x0  }
0x21: {  	s15 =	simm.s32 $0xC0;
	s16 =	simm.s32 $0x2;
	[sflag:s14] =	ssyncadd.s32 $0xFFFFE000  }
0x22: {  	[tilespmem:s9], [sflag:$0x1] =	stream.indirect.gather [spmem:s1], $0x80, s15, s8, $0xb8;
	[tilespmem:$0x6248] =	vst v63  }
0x23: {  	_ =	swait.ge [sflag:s16], $0x2000  }
0x24: {  	[sflag:s16] =	ssyncset.done $0x0  }
0x25: {  	s17 =	simm.s32 $0x5;
	s18 =	rddreg [dreg:$0x7];
	[sflag:s16] =	ssyncadd.s32 $0xFFFFE000  }
0x26: {  	[hbm4b:s18+s2] =	stream.linear.scatter [tilespmem:s10], [sflag:$0x5], $0x2000, $0x38;
	[tilespmem:$0x6248] =	vst v63  }
0x27: {  	_ =	swait.ge [sflag:s17], $0x2000  }
0x28: {  	[sflag:s17] =	ssyncset.done $0x0  }
0x29: {  	s19 =	simm.s32 $0x3;
	s18 =	simm.s32 $0x100;
	[sflag:s17] =	ssyncadd.s32 $0xFFFFE000  }
0x2a: {  	[tilespmem:s10], [sflag:$0x2] =	stream.indirect.gather [spmem:s1], $0x80, s18, s8, $0xb8;
	[tilespmem:$0x6248] =	vst v63  }
0x2b: {  	_ =	swait.ge [sflag:s19], $0x2000  }
0x2c: {  	[sflag:s19] =	ssyncset.done $0x0  }
0x2d: {  	s21 =	simm.s32 $0x6;
	s20 =	sadd.s32 $0x800, s3;
	[sflag:s19] =	ssyncadd.s32 $0xFFFFE000  }
0x2e: {  	[hbm4b:s20+s2] =	stream.linear.scatter [tilespmem:s12], [sflag:$0x6], $0x2000, $0x38;
	[tilespmem:$0x6248] =	vst v63  }
0x2f: {  	_ =	swait.ge [sflag:s21], $0x2000  }
0x30: {  	[sflag:s21] =	ssyncset.done $0x0  }
0x31: {  	s22 =	simm.s32 $0x140;
	[sflag:s21] =	ssyncadd.s32 $0xFFFFE000  }
0x32: {  	[tilespmem:s12], [sflag:$0x3] =	stream.indirect.gather [spmem:s1], $0x80, s22, s8, $0xb8;
	[tilespmem:$0x6248] =	vst v63  }
0x33: {  	_ =	swait.ge [sflag:s13], $0x2000  }
0x34: {  	[sflag:s13] =	ssyncset.done $0x0  }
0x35: {  	s23 =	sadd.s32 $0xC00, s3;
	[sflag:s13] =	ssyncadd.s32 $0xFFFFE000  }
0x36: {  	[hbm4b:s23+s2] =	stream.linear.scatter [tilespmem:s9], [sflag:$0x4], $0x2000, $0x38;
	[tilespmem:$0x6248] =	vst v63  }
0x37: {  	_ =	swait.ge [sflag:s14], $0x2000  }
0x38: {  	[sflag:s14] =	ssyncset.done $0x0  }
0x39: {  	s24 =	simm.s32 $0x180;
	[sflag:s14] =	ssyncadd.s32 $0xFFFFE000  }
0x3a: {  	[tilespmem:s9], [sflag:$0x1] =	stream.indirect.gather [spmem:s1], $0x80, s24, s8, $0xb8;
	[tilespmem:$0x6248] =	vst v63  }
0x3b: {  	_ =	swait.ge [sflag:s16], $0x2000  }
0x3c: {  	[sflag:s16] =	ssyncset.done $0x0  }
0x3d: {  	s25 =	sadd.s32 $0x1000, s3;
	[sflag:s16] =	ssyncadd.s32 $0xFFFFE000  }
0x3e: {  	[hbm4b:s25+s2] =	stream.linear.scatter [tilespmem:s10], [sflag:$0x5], $0x2000, $0x38;
	[tilespmem:$0x6248] =	vst v63  }
0x3f: {  	_ =	swait.ge [sflag:s17], $0x2000  }
0x40: {  	[sflag:s17] =	ssyncset.done $0x0  }
0x41: {  	s26 =	simm.s32 $0x1C0;
	[sflag:s17] =	ssyncadd.s32 $0xFFFFE000  }
0x42: {  	[tilespmem:s10], [sflag:$0x2] =	stream.indirect.gather [spmem:s1], $0x80, s26, s8, $0xb8;
	[tilespmem:$0x6248] =	vst v63  }
0x43: {  	_ =	swait.ge [sflag:s19], $0x2000  }
0x44: {  	[sflag:s19] =	ssyncset.done $0x0  }
0x45: {  	s28 =	sadd.s32 $0x1400, s3;
	[sflag:s19] =	ssyncadd.s32 $0xFFFFE000  }
0x46: {  	[hbm4b:s28+s2] =	stream.linear.scatter [tilespmem:s12], [sflag:$0x6], $0x2000, $0x38;
	[tilespmem:$0x6248] =	vst v63  }
0x47: {  	_ =	swait.ge [sflag:s13], $0x2000  }
0x48: {  	[sflag:s13] =	ssyncset.done $0x0  }
0x49: {  	s31 =	ssub.s32 $0x2, s31;
	s29 =	sadd.s32 $0x1800, s3;
	[sflag:s13] =	ssyncadd.s32 $0xFFFFE000  }
0x4a: {  	[hbm4b:s29+s2] =	stream.linear.scatter [tilespmem:s9], [sflag:$0x4], $0x2000, $0x38;
	[tilespmem:$0x6248] =	vst v63  }
0x4b: {  	s5 =	sshrl.u32 s31, $0x1;
	_ =	swait.ge [sflag:s16], $0x2000  }
0x4c: {  	s0 =	ssub.s32 s31, s5;
	[sflag:s16] =	ssyncset.done $0x0  }
0x4d: {  	s30 =	sadd.s32 $0x1C00, s3;
	s0 =	smax.u32 s0, $0x1;
	[sflag:s16] =	ssyncadd.s32 $0xFFFFE000  }
0x4e: {  	[hbm4b:s30+s2] =	stream.linear.scatter [tilespmem:s10], [sflag:$0x5], $0x2000, $0x38;
	[tilespmem:$0x6248] =	vst v63  }
0x4f: {  	s31 =	sadd.s32 $0xFFFFFFFF, s0;
	_ =	swait.ge [sflag:s21], $0x2000  }
0x50: {  	p1 =	sne.s32 s31, $0x0;
	[sflag:s21] =	ssyncset.done $0x0  }
.Ltmp0:
0x51: {  	[sflag:s21] =	ssyncadd.s32 $0xFFFFE000;
	(pc) =	sbr.rel @!p1 .LBB2_2-.Ltmp0, $4  }
0x52: {  	_ =	swait.ge [sflag:s14], $0x2000  }
0x53: {  	[sflag:s14] =	ssyncset.done $0x0  }
0x54: {  	[sflag:s14] =	ssyncadd.s32 $0xFFFFE000  }
0x55: {  	_ =	swait.ge [sflag:s17], $0x2000  }
.LBB2_1:
0x56: {  	[sflag:s17] =	ssyncset.done $0x0  }
0x57: {  	s0 =	rddreg [dreg:$0x6];
	[sflag:s17] =	ssyncadd.s32 $0xFFFFE000  }
0x58: {  	[tilespmem:s2], [sflag:$0x7] =	stream.linear.gather [hbm4b:s0+s2], $0x200, $0x38;
	[tilespmem:$0x6248] =	vst v63  }
0x59: {  	s5 =	rddreg [dreg:$0x5];
	s0 =	simm.s32 @!p0 $0x1C08  }
0x5a: {  	[spmem:s4], [sflag:s0] =	dma.local @!p0 [hbm:s5], $0x90  }
0x5b: {  	_ =	swait.ge @!p0 [sflag:s6], $0x90  }
0x5c: {  	[sflag:s6] =	ssyncset.done @!p0 $0x0  }
0x5d: {  	[sflag:s6] =	ssyncadd.s32 @!p0 $0xFFFFFF70  }
0x5e: {  	_ =	swait.ge [sflag:s7], $0x200  }
0x5f: {  	[sflag:s7] =	ssyncset.done $0x0  }
0x60: {  	[sflag:s7] =	ssyncadd.s32 $0xFFFFFE00  }
0x61: {  	[bflag:$0x0] =	sbarrier.arrive $0xFFFF  }
0x62: {  	[tilespmem:s9], [sflag:$0x1] =	stream.indirect.gather [spmem:s1], $0x80, s2, s8, $0xb8;
	[tilespmem:$0x6248] =	vst v63  }
0x63: {  	_ = 	snop  }
0x64: {  	[tilespmem:s10], [sflag:$0x2] =	stream.indirect.gather [spmem:s1], $0x80, s8, s8, $0xb8;
	[tilespmem:$0x6248] =	vst v63  }
0x65: {  	_ = 	snop  }
0x66: {  	[tilespmem:s12], [sflag:$0x3] =	stream.indirect.gather [spmem:s1], $0x80, s11, s8, $0xb8;
	[tilespmem:$0x6248] =	vst v63  }
0x67: {  	_ =	swait.ge [sflag:s13], $0x2000  }
0x68: {  	[sflag:s13] =	ssyncset.done $0x0  }
0x69: {  	[sflag:s13] =	ssyncadd.s32 $0xFFFFE000  }
0x6a: {  	[hbm4b:s3+s2] =	stream.linear.scatter [tilespmem:s9], [sflag:$0x4], $0x2000, $0x38;
	[tilespmem:$0x6248] =	vst v63  }
0x6b: {  	_ =	swait.ge [sflag:s14], $0x2000  }
0x6c: {  	[sflag:s14] =	ssyncset.done $0x0  }
0x6d: {  	[sflag:s14] =	ssyncadd.s32 $0xFFFFE000  }
0x6e: {  	[tilespmem:s9], [sflag:$0x1] =	stream.indirect.gather [spmem:s1], $0x80, s15, s8, $0xb8;
	[tilespmem:$0x6248] =	vst v63  }
0x6f: {  	_ =	swait.ge [sflag:s16], $0x2000  }
0x70: {  	[sflag:s16] =	ssyncset.done $0x0  }
0x71: {  	s5 =	rddreg [dreg:$0x7];
	[sflag:s16] =	ssyncadd.s32 $0xFFFFE000  }
0x72: {  	[hbm4b:s5+s2] =	stream.linear.scatter [tilespmem:s10], [sflag:$0x5], $0x2000, $0x38;
	[tilespmem:$0x6248] =	vst v63  }
0x73: {  	_ =	swait.ge [sflag:s17], $0x2000  }
0x74: {  	[sflag:s17] =	ssyncset.done $0x0  }
0x75: {  	[sflag:s17] =	ssyncadd.s32 $0xFFFFE000  }
0x76: {  	[tilespmem:s10], [sflag:$0x2] =	stream.indirect.gather [spmem:s1], $0x80, s18, s8, $0xb8;
	[tilespmem:$0x6248] =	vst v63  }
0x77: {  	_ =	swait.ge [sflag:s19], $0x2000  }
0x78: {  	[sflag:s19] =	ssyncset.done $0x0  }
0x79: {  	[sflag:s19] =	ssyncadd.s32 $0xFFFFE000  }
0x7a: {  	[hbm4b:s20+s2] =	stream.linear.scatter [tilespmem:s12], [sflag:$0x6], $0x2000, $0x38;
	[tilespmem:$0x6248] =	vst v63  }
0x7b: {  	_ =	swait.ge [sflag:s21], $0x2000  }
0x7c: {  	[sflag:s21] =	ssyncset.done $0x0  }
0x7d: {  	[sflag:s21] =	ssyncadd.s32 $0xFFFFE000  }
0x7e: {  	[tilespmem:s12], [sflag:$0x3] =	stream.indirect.gather [spmem:s1], $0x80, s22, s8, $0xb8;
	[tilespmem:$0x6248] =	vst v63  }
0x7f: {  	_ =	swait.ge [sflag:s13], $0x2000  }
0x80: {  	[sflag:s13] =	ssyncset.done $0x0  }
0x81: {  	[sflag:s13] =	ssyncadd.s32 $0xFFFFE000  }
0x82: {  	[hbm4b:s23+s2] =	stream.linear.scatter [tilespmem:s9], [sflag:$0x4], $0x2000, $0x38;
	[tilespmem:$0x6248] =	vst v63  }
0x83: {  	_ =	swait.ge [sflag:s14], $0x2000  }
0x84: {  	[sflag:s14] =	ssyncset.done $0x0  }
0x85: {  	[sflag:s14] =	ssyncadd.s32 $0xFFFFE000  }
0x86: {  	[tilespmem:s9], [sflag:$0x1] =	stream.indirect.gather [spmem:s1], $0x80, s24, s8, $0xb8;
	[tilespmem:$0x6248] =	vst v63  }
0x87: {  	_ =	swait.ge [sflag:s16], $0x2000  }
0x88: {  	[sflag:s16] =	ssyncset.done $0x0  }
0x89: {  	[sflag:s16] =	ssyncadd.s32 $0xFFFFE000  }
0x8a: {  	[hbm4b:s25+s2] =	stream.linear.scatter [tilespmem:s10], [sflag:$0x5], $0x2000, $0x38;
	[tilespmem:$0x6248] =	vst v63  }
0x8b: {  	_ =	swait.ge [sflag:s17], $0x2000  }
0x8c: {  	[sflag:s17] =	ssyncset.done $0x0  }
0x8d: {  	[sflag:s17] =	ssyncadd.s32 $0xFFFFE000  }
0x8e: {  	[tilespmem:s10], [sflag:$0x2] =	stream.indirect.gather [spmem:s1], $0x80, s26, s8, $0xb8;
	[tilespmem:$0x6248] =	vst v63  }
0x8f: {  	_ =	swait.ge [sflag:s19], $0x2000  }
0x90: {  	[sflag:s19] =	ssyncset.done $0x0  }
0x91: {  	[sflag:s19] =	ssyncadd.s32 $0xFFFFE000  }
0x92: {  	[hbm4b:s28+s2] =	stream.linear.scatter [tilespmem:s12], [sflag:$0x6], $0x2000, $0x38;
	[tilespmem:$0x6248] =	vst v63  }
0x93: {  	_ =	swait.ge [sflag:s13], $0x2000  }
0x94: {  	[sflag:s13] =	ssyncset.done $0x0  }
0x95: {  	[sflag:s13] =	ssyncadd.s32 $0xFFFFE000  }
0x96: {  	[hbm4b:s29+s2] =	stream.linear.scatter [tilespmem:s9], [sflag:$0x4], $0x2000, $0x38;
	[tilespmem:$0x6248] =	vst v63  }
0x97: {  	_ =	swait.ge [sflag:s16], $0x2000  }
0x98: {  	[sflag:s16] =	ssyncset.done $0x0  }
0x99: {  	[sflag:s16] =	ssyncadd.s32 $0xFFFFE000  }
0x9a: {  	[hbm4b:s30+s2] =	stream.linear.scatter [tilespmem:s10], [sflag:$0x5], $0x2000, $0x38;
	[tilespmem:$0x6248] =	vst v63  }
0x9b: {  	s31 =	sadd.s32 $0xFFFFFFFF, s31;
	_ =	swait.ge [sflag:s21], $0x2000  }
0x9c: {  	p1 =	sne.s32 s31, $0x0;
	[sflag:s21] =	ssyncset.done $0x0  }
.Ltmp1:
0x9d: {  	[sflag:s21] =	ssyncadd.s32 $0xFFFFE000;
	(pc) =	sbr.rel @p1 .LBB2_1-.Ltmp1, $4  }
0x9e: {  	_ =	swait.ge [sflag:s14], $0x2000  }
0x9f: {  	[sflag:s14] =	ssyncset.done $0x0  }
0xa0: {  	[sflag:s14] =	ssyncadd.s32 $0xFFFFE000  }
0xa1: {  	_ =	swait.ge [sflag:s17], $0x2000  }
.LBB2_2:
0xa2: {  	[sflag:s17] =	ssyncset.done $0x0  }
0xa3: {  	[sflag:s17] =	ssyncadd.s32 $0xFFFFE000  }
0xa4: {  	_ =	sfence.sel $0x180000  }
0xa5: {  	[bflag:$0x0] =	sbarrier.arrive $0xFFFF  }
0xa6: {  	_ =	strace $0x90000047  }
0xa7: {  	[bflag:$0x2] =	sbarrier.arrive $0xFFFF  }
0xa8: {  	s0 =	rddreg [dreg:$0x4]  }
0xa9: {  	s0 =	sadd.s32 @!p0 $0x100000, s0  }
0xaa: {  	[sflag:s0] =	ssyncadd.tile.s32 @!p0 $0x1;
	_ =	shalt  }
.Lfunc_end2:
_tile_overlayer_lowered:
.L_overlay_start_2:
0xab: {  	(tag) =	ssettag $0x2  }
0xac: {  	s0 =	rddreg [dreg:$0x0];
	s2 =	stileid.u32  }
0xad: {  	s1 =	rddreg [dreg:$0x1];
	p0 =	sne.s32 s2, $0x0  }
0xae: {  	s3 =	rddreg [dreg:$0x2];
	[bflag:$0x3] =	sbarrier.arrive $0xFFFF;
	s2 =	simm.s32 @!p0 $0x1C08  }
0xaf: {  	[timem:s3], [sflag:s2] =	dma.local @!p0 [hbm:s0], s1  }
0xb0: {  	s0 =	simm.s32 @!p0 $0x8  }
0xb1: {  	_ =	swait.ge @!p0 [sflag:s0], s1  }
0xb2: {  	s1 =	ssub.s32 @!p0 $0x0, s1;
	[sflag:s0] =	ssyncset.done @!p0 $0x0  }
0xb3: {  	[sflag:s0] =	ssyncadd.s32 @!p0 s1  }
0xb4: {  	[bflag:$0x3] =	sbarrier.arrive $0xFFFF  }
0xb5: {  	_ =	shalt  }

</sc_bundles>
